<compile_context>
chip_gen: v7x
topology: tpu7x:2x2x1
jax: 0.10.2.dev20260603
libtpu: 0.0.44.dev20260713+nightly
codegen_flags: <defaults>
</compile_context>

<pallas_src>
import functools

import jax
import jax.numpy as jnp
from jax import lax
from jax.experimental import pallas as pl
from jax.experimental.pallas import tpu as pltpu
from jax.experimental.pallas import tpu_sc as plsc

B, E, C, O = 8, 1024, 32, 8192
N = B * E
TOK_BLK = 1024
CB_CHUNK = 2048
N_BLKS = N // TOK_BLK
N_CHUNKS = O // CB_CHUNK

_NW = 32
_GROUPS = (2 * N) // 128
_RPW = _GROUPS // _NW


def _argmin_body(x_ref, w_ref, b_ref, cbt_ref, noise_ref, std_ref,
                 lat_ref, idet_ref, inoisy_ref):
    lat = (jnp.dot(x_ref[...], w_ref[...], preferred_element_type=jnp.float32)
           + b_ref[...][None, :])
    lat_ref[...] = lat
    lat_bf = lat.astype(jnp.bfloat16)
    f_sq = jnp.sum(lat * lat, axis=1)
    bv = jnp.full((TOK_BLK,), jnp.inf, jnp.float32)
    bi = jnp.zeros((TOK_BLK,), jnp.int32)
    cols = lax.broadcasted_iota(jnp.int32, (TOK_BLK, CB_CHUNK), 1)
    for k in range(N_CHUNKS):
        cbt = cbt_ref[:, pl.ds(k * CB_CHUNK, CB_CHUNK)]
        cb_sq = jnp.sum(cbt * cbt, axis=0)
        prod = jnp.dot(lat_bf, cbt.astype(jnp.bfloat16),
                       preferred_element_type=jnp.float32)
        scores = (f_sq[:, None] + cb_sq[None, :]) - 2.0 * prod
        m = jnp.min(scores, axis=1)
        idx = (jnp.min(jnp.where(scores == m[:, None], cols, CB_CHUNK),
                       axis=1) + k * CB_CHUNK)
        take = m < bv
        bi = jnp.where(take, idx, bi)
        bv = (jnp.where(take, m, bv)
              .astype(jnp.bfloat16).astype(jnp.float32))
    idet_ref[...] = bi
    nz = jnp.round(noise_ref[...] * std_ref[0, 0]).astype(jnp.int32)
    inoisy_ref[...] = jnp.clip(bi + nz, 0, O - 1)


def _argmin_call(xh, W_pre, b_pre, cbT, noise_h, std_arr):
    nh = xh.shape[0]
    return pl.pallas_call(
        _argmin_body,
        grid=(nh // TOK_BLK,),
        in_specs=[
            pl.BlockSpec((TOK_BLK, C), lambda i: (i, 0)),
            pl.BlockSpec((C, C), lambda i: (0, 0)),
            pl.BlockSpec((C,), lambda i: (0,)),
            pl.BlockSpec((C, O), lambda i: (0, 0)),
            pl.BlockSpec((TOK_BLK,), lambda i: (i,)),
            pl.BlockSpec(memory_space=pltpu.SMEM),
        ],
        out_specs=[
            pl.BlockSpec((TOK_BLK, C), lambda i: (i, 0)),
            pl.BlockSpec((TOK_BLK,), lambda i: (i,)),
            pl.BlockSpec((TOK_BLK,), lambda i: (i,)),
        ],
        out_shape=[
            jax.ShapeDtypeStruct((nh, C), jnp.float32),
            jax.ShapeDtypeStruct((nh,), jnp.int32),
            jax.ShapeDtypeStruct((nh,), jnp.int32),
        ],
    )(xh, W_pre, b_pre, cbT, noise_h, std_arr)


@functools.cache
def _sc_gather_fn(groups):
    rpw = groups // _NW
    mesh = plsc.VectorSubcoreMesh(core_axis_name="c", subcore_axis_name="s",
                                  num_cores=2)

    @functools.partial(
        pl.kernel,
        mesh=mesh,
        out_type=jax.ShapeDtypeStruct((groups, 128, C), jnp.float32),
        scratch_types=[
            pltpu.VMEM((rpw, 128), jnp.int32),
            pltpu.VMEM((rpw, 128, C), jnp.float32),
            pltpu.SemaphoreType.DMA,
        ],
        compiler_params=pltpu.CompilerParams(use_tc_tiling_on_sc=False),
    )
    def _sc_gather(idx_hbm, table_hbm, out_hbm, idx_v, rows_v, sem):
        wid = lax.axis_index("s") * 2 + lax.axis_index("c")
        base = wid * rpw
        pltpu.sync_copy(idx_hbm.at[pl.ds(base, rpw)], idx_v)
        cps = [pltpu.async_copy(table_hbm.at[idx_v.at[j]], rows_v.at[j], sem)
               for j in range(rpw)]
        for cp in cps:
            cp.wait()
        pltpu.sync_copy(rows_v, out_hbm.at[pl.ds(base, rpw)])

    return _sc_gather


def _post_body(lat_ref, qd_ref, qn_ref, y_ref, w_ref, b_ref,
               out_ref, loss_ref):
    lat = lat_ref[...]
    qd = qd_ref[...]
    qn = qn_ref[...]
    out_in = lat + (qn - lat)
    out = (jnp.dot(out_in, w_ref[...], preferred_element_type=jnp.float32)
           + b_ref[...][None, :])
    out_ref[...] = out
    inv = jnp.float32(1.0 / (N * C))
    recon = jnp.sum((out - y_ref[...]) ** 2) * inv
    non_recon = (jnp.float32(0.25) * (jnp.sum((lat - qd) ** 2) * inv)
                 + jnp.sum((qn - lat) ** 2) * inv)
    loss_ref[0, 0] = recon + non_recon


def _post_call(lat, q_det, q_noisy, y2, W_post, b_post):
    return pl.pallas_call(
        _post_body,
        grid=(1,),
        in_specs=[
            pl.BlockSpec((N, C), lambda i: (0, 0)),
            pl.BlockSpec((N, C), lambda i: (0, 0)),
            pl.BlockSpec((N, C), lambda i: (0, 0)),
            pl.BlockSpec((N, C), lambda i: (0, 0)),
            pl.BlockSpec((C, C), lambda i: (0, 0)),
            pl.BlockSpec((C,), lambda i: (0,)),
        ],
        out_specs=[
            pl.BlockSpec((N, C), lambda i: (0, 0)),
            pl.BlockSpec(memory_space=pltpu.SMEM),
        ],
        out_shape=[
            jax.ShapeDtypeStruct((N, C), jnp.float32),
            jax.ShapeDtypeStruct((1, 1), jnp.float32),
        ],
    )(lat, q_det, q_noisy, y2, W_post, b_post)


def kernel(x, y, quantization_noise_std, W_pre, b_pre, W_post, b_post,
           codebook):
    x2 = x.reshape(N, C)
    y2 = y.reshape(N, C)
    std_arr = jnp.asarray(quantization_noise_std, jnp.float32).reshape(1, 1)
    noise_f = jax.random.normal(jax.random.key(42), (N,), dtype=jnp.float32)

    lat, idet, inoisy = _argmin_call(x2, W_pre, b_pre, codebook.T, noise_f,
                                     std_arr)
    idx_mat = jnp.concatenate([idet, inoisy]).reshape(_GROUPS, 128)
    rows = _sc_gather_fn(_GROUPS)(idx_mat, codebook).reshape(2 * N, C)

    out2, loss = _post_call(lat, rows[:N], rows[N:], y2, W_post, b_post)
    return out2.reshape(B, E, C), loss[0, 0]

# --- scband reference (transcript-rebuilt; emitter-appended) ---
"""Pipeline reference for scband-psn-64682207478109 (READ-ONLY COPY).

The authoritative reference and input builder live on the scoring server;
editing this copy changes nothing except your own understanding.
"""

import jax, jax.numpy as jnp
import numpy as np

B, E, C, O = 8, 1024, 32, 8192
BETA = 0.25

def setup_inputs(seed: int = 0) -> dict:
    key = jax.random.key(seed)
    ks = jax.random.split(key, 6)
    x = jax.random.normal(ks[0], (B, E, C), dtype=jnp.float32)
    y = jax.random.normal(ks[1], (B, E, C), dtype=jnp.float32)
    W_pre = jax.random.normal(ks[2], (C, C), dtype=jnp.float32) * (1.0 / np.sqrt(C))
    b_pre = jnp.zeros((C,), dtype=jnp.float32)
    W_post = jax.random.normal(ks[3], (C, C), dtype=jnp.float32) * (1.0 / np.sqrt(C))
    b_post = jnp.zeros((C,), dtype=jnp.float32)
    codebook = jax.random.uniform(ks[4], (O, C), dtype=jnp.float32, minval=-1.0, maxval=1.0)
    codebook = codebook - codebook.mean(axis=0)
    return {"x": x, "y": y, "quantization_noise_std": 1, "W_pre": W_pre, "b_pre": b_pre, "W_post": W_post, "b_post": b_post, "codebook": codebook}

def reference(x, y, quantization_noise_std, W_pre, b_pre, W_post, b_post, codebook):
    # mode == 'nearest' path of PSN.forward
    # pre_quantizer: token-wise linear, inner_seq_len == E
    latents = x @ W_pre + b_pre  # [B, E, C]
    # nearest_neighbors(latents, out_codebook, S=E): r = E//S = 1
    flat = latents.reshape(B * E, C)
    dist = jnp.sum(flat ** 2, axis=1, keepdims=True) + jnp.sum(codebook ** 2, axis=1) - 2.0 * (flat @ codebook.T)  # [B*E, O]
    inds_det = jnp.argmin(dist, axis=1)  # [B*E]
    noise = jnp.round(jax.random.normal(jax.random.key(42), inds_det.shape, dtype=jnp.float32) * jnp.float32(quantization_noise_std)).astype(jnp.int32)
    inds_noisy = jnp.clip(inds_det.astype(jnp.int32) + noise, 0, O - 1)
    # one-hot @ codebook == gather (SparseCore-friendly)
    q_det = jnp.take(codebook, inds_det, axis=0).reshape(B, E, C)
    q_noisy = jnp.take(codebook, inds_noisy, axis=0).reshape(B, E, C)
    # straight-through estimator
    out_in = latents + jax.lax.stop_gradient(q_noisy - latents)
    # post_quantizer: token-wise linear
    out = out_in @ W_post + b_post  # [B, E, C]
    # vqvae_loss: post_quantizer.loss (mse) + non_recon_loss (delta=1.0)
    recon = jnp.mean((out - y) ** 2)
    non_recon = BETA * jnp.mean((latents - jax.lax.stop_gradient(q_det)) ** 2) + jnp.mean((q_noisy - jax.lax.stop_gradient(latents)) ** 2)
    loss = recon + non_recon
    return out, loss

if __name__ == "__main__":
    import jax
    _d = setup_inputs()
    print(jax.jit(kernel)(*tuple(_d.values())))

</pallas_src>

<mosaic_0001>
#map = affine_map<(d0, d1) -> (0, 0)>
#map1 = affine_map<(d0, d1) -> (0, 0, 0)>
module attributes {stable_mosaic.version = 14 : i64} {
  func.func @_sc_gather(%arg0: i32, %arg1: i32, %arg2: memref<128x128xi32, #tpu.memory_space<hbm>>, %arg3: memref<8192x32xf32, #tpu.memory_space<hbm>>, %arg4: memref<128x128x32xf32, #tpu.memory_space<hbm>>, %arg5: memref<4x128xi32, #tpu.memory_space<vmem>>, %arg6: memref<4x128x32xf32, #tpu.memory_space<vmem>>, %arg7: memref<!tpu.dma_semaphore, #tpu.memory_space<semaphore_mem>>) attributes {dimension_semantics = [#tpu.dimension_semantics<core_parallel>, #tpu.dimension_semantics<subcore_parallel>], iteration_bounds = array<i64: 2, 16>, scalar_prefetch = 0 : i64, scratch_operands = 3 : i64, tpu.core_type = #tpu.core_type<sc_vector_subcore>, window_params = [{transform_indices = #map}, {transform_indices = #map}, {transform_indices = #map1}]} {
    %mul3A = arith.constant 2 : i32
    %mul3A_0 = arith.muli %arg1, %mul3A : i32
    %add3A = arith.addi %mul3A_0, %arg0 : i32
    %mul3A_1 = arith.constant 4 : i32
    %mul3A_2 = arith.muli %add3A, %mul3A_1 : i32
    "tpu.region"() ({
      %run_scoped3A = tpu.sem_alloc : memref<!tpu.dma_semaphore, #tpu.memory_space<semaphore_mem>>
      %dma_start3A_97 = arith.constant 0 : i32
      %dma_start3A_98 = tpu.memref_slice %arg2[%mul3A_2, %dma_start3A_97] : memref<128x128xi32, #tpu.memory_space<hbm>> -> memref<4x128xi32, #tpu.memory_space<hbm>>
      %dma_start3A_99 = arith.constant 0 : i32
      %dma_start3A_100 = tpu.memref_slice %arg2[%mul3A_2, %dma_start3A_99] : memref<128x128xi32, #tpu.memory_space<hbm>> -> memref<4x128xi32, #tpu.memory_space<hbm>>
      tpu.enqueue_dma source(%dma_start3A_100 : memref<4x128xi32, #tpu.memory_space<hbm>>) target(%arg5 : memref<4x128xi32, #tpu.memory_space<vmem>>) target_semaphore(%run_scoped3A : memref<!tpu.dma_semaphore, #tpu.memory_space<semaphore_mem>>)
      %dma_wait3A_101 = arith.constant 0 : i32
      %dma_wait3A_102 = tpu.memref_slice %arg2[%mul3A_2, %dma_wait3A_101] : memref<128x128xi32, #tpu.memory_space<hbm>> -> memref<4x128xi32, #tpu.memory_space<hbm>>
      %dma_wait3A_103 = arith.constant 0 : i32
      %dma_wait3A_104 = tpu.memref_slice %arg2[%mul3A_2, %dma_wait3A_103] : memref<128x128xi32, #tpu.memory_space<hbm>> -> memref<4x128xi32, #tpu.memory_space<hbm>>
      tpu.wait_dma2 semaphore(%run_scoped3A : memref<!tpu.dma_semaphore, #tpu.memory_space<semaphore_mem>>) src(%dma_wait3A_104 : memref<4x128xi32, #tpu.memory_space<hbm>>) dst(%arg5 : memref<4x128xi32, #tpu.memory_space<vmem>>)
      tpu.yield
    }) : () -> ()
    %dma_start3A = arith.constant 0 : i32
    %dma_start3A_3 = arith.constant 0 : i32
    %dma_start3A_4 = arith.constant 0 : i32
    %dma_start3A_5 = arith.constant 0 : i32
    %dma_start3A_6 = tpu.memref_slice %arg6[%dma_start3A_3, %dma_start3A_4, %dma_start3A_5] : memref<4x128x32xf32, #tpu.memory_space<vmem>> -> memref<1x128x32xf32, #tpu.memory_space<vmem>>
    %dma_start3A_7 = tpu.memref_squeeze %dma_start3A_6 : memref<1x128x32xf32, #tpu.memory_space<vmem>> -> memref<128x32xf32, #tpu.memory_space<vmem>>
    %dma_start3A_8 = arith.constant 0 : i32
    %dma_start3A_9 = tpu.memref_slice %arg5[%dma_start3A, %dma_start3A_8] : memref<4x128xi32, #tpu.memory_space<vmem>> -> memref<1x128xi32, #tpu.memory_space<vmem>>
    %dma_start3A_10 = tpu.memref_squeeze %dma_start3A_9 : memref<1x128xi32, #tpu.memory_space<vmem>> -> memref<128xi32, #tpu.memory_space<vmem>>
    %dma_start3A_11 = arith.constant 0 : i32
    %dma_start3A_12 = arith.constant 0 : i32
    %dma_start3A_13 = tpu.memref_slice %arg3[%dma_start3A_11, %dma_start3A_12] : memref<8192x32xf32, #tpu.memory_space<hbm>> -> memref<8192x32xf32, #tpu.memory_space<hbm>>
    tpu.enqueue_indirect_dma source(%dma_start3A_13 : memref<8192x32xf32, #tpu.memory_space<hbm>>) target(%dma_start3A_7 : memref<128x32xf32, #tpu.memory_space<vmem>>) offsets(%dma_start3A_10 : memref<128xi32, #tpu.memory_space<vmem>>) semaphore(%arg7 : memref<!tpu.dma_semaphore, #tpu.memory_space<semaphore_mem>>)
    %dma_start3A_14 = arith.constant 1 : i32
    %dma_start3A_15 = arith.constant 1 : i32
    %dma_start3A_16 = arith.constant 0 : i32
    %dma_start3A_17 = arith.constant 0 : i32
    %dma_start3A_18 = tpu.memref_slice %arg6[%dma_start3A_15, %dma_start3A_16, %dma_start3A_17] : memref<4x128x32xf32, #tpu.memory_space<vmem>> -> memref<1x128x32xf32, #tpu.memory_space<vmem>>
    %dma_start3A_19 = tpu.memref_squeeze %dma_start3A_18 : memref<1x128x32xf32, #tpu.memory_space<vmem>> -> memref<128x32xf32, #tpu.memory_space<vmem>>
    %dma_start3A_20 = arith.constant 0 : i32
    %dma_start3A_21 = tpu.memref_slice %arg5[%dma_start3A_14, %dma_start3A_20] : memref<4x128xi32, #tpu.memory_space<vmem>> -> memref<1x128xi32, #tpu.memory_space<vmem>>
    %dma_start3A_22 = tpu.memref_squeeze %dma_start3A_21 : memref<1x128xi32, #tpu.memory_space<vmem>> -> memref<128xi32, #tpu.memory_space<vmem>>
    %dma_start3A_23 = arith.constant 0 : i32
    %dma_start3A_24 = arith.constant 0 : i32
    %dma_start3A_25 = tpu.memref_slice %arg3[%dma_start3A_23, %dma_start3A_24] : memref<8192x32xf32, #tpu.memory_space<hbm>> -> memref<8192x32xf32, #tpu.memory_space<hbm>>
    tpu.enqueue_indirect_dma source(%dma_start3A_25 : memref<8192x32xf32, #tpu.memory_space<hbm>>) target(%dma_start3A_19 : memref<128x32xf32, #tpu.memory_space<vmem>>) offsets(%dma_start3A_22 : memref<128xi32, #tpu.memory_space<vmem>>) semaphore(%arg7 : memref<!tpu.dma_semaphore, #tpu.memory_space<semaphore_mem>>)
    %dma_start3A_26 = arith.constant 2 : i32
    %dma_start3A_27 = arith.constant 2 : i32
    %dma_start3A_28 = arith.constant 0 : i32
    %dma_start3A_29 = arith.constant 0 : i32
    %dma_start3A_30 = tpu.memref_slice %arg6[%dma_start3A_27, %dma_start3A_28, %dma_start3A_29] : memref<4x128x32xf32, #tpu.memory_space<vmem>> -> memref<1x128x32xf32, #tpu.memory_space<vmem>>
    %dma_start3A_31 = tpu.memref_squeeze %dma_start3A_30 : memref<1x128x32xf32, #tpu.memory_space<vmem>> -> memref<128x32xf32, #tpu.memory_space<vmem>>
    %dma_start3A_32 = arith.constant 0 : i32
    %dma_start3A_33 = tpu.memref_slice %arg5[%dma_start3A_26, %dma_start3A_32] : memref<4x128xi32, #tpu.memory_space<vmem>> -> memref<1x128xi32, #tpu.memory_space<vmem>>
    %dma_start3A_34 = tpu.memref_squeeze %dma_start3A_33 : memref<1x128xi32, #tpu.memory_space<vmem>> -> memref<128xi32, #tpu.memory_space<vmem>>
    %dma_start3A_35 = arith.constant 0 : i32
    %dma_start3A_36 = arith.constant 0 : i32
    %dma_start3A_37 = tpu.memref_slice %arg3[%dma_start3A_35, %dma_start3A_36] : memref<8192x32xf32, #tpu.memory_space<hbm>> -> memref<8192x32xf32, #tpu.memory_space<hbm>>
    tpu.enqueue_indirect_dma source(%dma_start3A_37 : memref<8192x32xf32, #tpu.memory_space<hbm>>) target(%dma_start3A_31 : memref<128x32xf32, #tpu.memory_space<vmem>>) offsets(%dma_start3A_34 : memref<128xi32, #tpu.memory_space<vmem>>) semaphore(%arg7 : memref<!tpu.dma_semaphore, #tpu.memory_space<semaphore_mem>>)
    %dma_start3A_38 = arith.constant 3 : i32
    %dma_start3A_39 = arith.constant 3 : i32
    %dma_start3A_40 = arith.constant 0 : i32
    %dma_start3A_41 = arith.constant 0 : i32
    %dma_start3A_42 = tpu.memref_slice %arg6[%dma_start3A_39, %dma_start3A_40, %dma_start3A_41] : memref<4x128x32xf32, #tpu.memory_space<vmem>> -> memref<1x128x32xf32, #tpu.memory_space<vmem>>
    %dma_start3A_43 = tpu.memref_squeeze %dma_start3A_42 : memref<1x128x32xf32, #tpu.memory_space<vmem>> -> memref<128x32xf32, #tpu.memory_space<vmem>>
    %dma_start3A_44 = arith.constant 0 : i32
    %dma_start3A_45 = tpu.memref_slice %arg5[%dma_start3A_38, %dma_start3A_44] : memref<4x128xi32, #tpu.memory_space<vmem>> -> memref<1x128xi32, #tpu.memory_space<vmem>>
    %dma_start3A_46 = tpu.memref_squeeze %dma_start3A_45 : memref<1x128xi32, #tpu.memory_space<vmem>> -> memref<128xi32, #tpu.memory_space<vmem>>
    %dma_start3A_47 = arith.constant 0 : i32
    %dma_start3A_48 = arith.constant 0 : i32
    %dma_start3A_49 = tpu.memref_slice %arg3[%dma_start3A_47, %dma_start3A_48] : memref<8192x32xf32, #tpu.memory_space<hbm>> -> memref<8192x32xf32, #tpu.memory_space<hbm>>
    tpu.enqueue_indirect_dma source(%dma_start3A_49 : memref<8192x32xf32, #tpu.memory_space<hbm>>) target(%dma_start3A_43 : memref<128x32xf32, #tpu.memory_space<vmem>>) offsets(%dma_start3A_46 : memref<128xi32, #tpu.memory_space<vmem>>) semaphore(%arg7 : memref<!tpu.dma_semaphore, #tpu.memory_space<semaphore_mem>>)
    %dma_wait3A = arith.constant 0 : i32
    %dma_wait3A_50 = arith.constant 0 : i32
    %dma_wait3A_51 = arith.constant 0 : i32
    %dma_wait3A_52 = arith.constant 0 : i32
    %dma_wait3A_53 = tpu.memref_slice %arg6[%dma_wait3A_50, %dma_wait3A_51, %dma_wait3A_52] : memref<4x128x32xf32, #tpu.memory_space<vmem>> -> memref<1x128x32xf32, #tpu.memory_space<vmem>>
    %dma_wait3A_54 = tpu.memref_squeeze %dma_wait3A_53 : memref<1x128x32xf32, #tpu.memory_space<vmem>> -> memref<128x32xf32, #tpu.memory_space<vmem>>
    %dma_wait3A_55 = arith.constant 0 : i32
    %dma_wait3A_56 = tpu.memref_slice %arg5[%dma_wait3A, %dma_wait3A_55] : memref<4x128xi32, #tpu.memory_space<vmem>> -> memref<1x128xi32, #tpu.memory_space<vmem>>
    %dma_wait3A_57 = tpu.memref_squeeze %dma_wait3A_56 : memref<1x128xi32, #tpu.memory_space<vmem>> -> memref<128xi32, #tpu.memory_space<vmem>>
    %dma_wait3A_58 = arith.constant 0 : i32
    %dma_wait3A_59 = arith.constant 0 : i32
    %dma_wait3A_60 = tpu.memref_slice %arg3[%dma_wait3A_58, %dma_wait3A_59] : memref<8192x32xf32, #tpu.memory_space<hbm>> -> memref<8192x32xf32, #tpu.memory_space<hbm>>
    tpu.wait_indirect_dma semaphore(%arg7 : memref<!tpu.dma_semaphore, #tpu.memory_space<semaphore_mem>>) src(%dma_wait3A_60 : memref<8192x32xf32, #tpu.memory_space<hbm>>) dst(%dma_wait3A_54 : memref<128x32xf32, #tpu.memory_space<vmem>>)
    %dma_wait3A_61 = arith.constant 1 : i32
    %dma_wait3A_62 = arith.constant 1 : i32
    %dma_wait3A_63 = arith.constant 0 : i32
    %dma_wait3A_64 = arith.constant 0 : i32
    %dma_wait3A_65 = tpu.memref_slice %arg6[%dma_wait3A_62, %dma_wait3A_63, %dma_wait3A_64] : memref<4x128x32xf32, #tpu.memory_space<vmem>> -> memref<1x128x32xf32, #tpu.memory_space<vmem>>
    %dma_wait3A_66 = tpu.memref_squeeze %dma_wait3A_65 : memref<1x128x32xf32, #tpu.memory_space<vmem>> -> memref<128x32xf32, #tpu.memory_space<vmem>>
    %dma_wait3A_67 = arith.constant 0 : i32
    %dma_wait3A_68 = tpu.memref_slice %arg5[%dma_wait3A_61, %dma_wait3A_67] : memref<4x128xi32, #tpu.memory_space<vmem>> -> memref<1x128xi32, #tpu.memory_space<vmem>>
    %dma_wait3A_69 = tpu.memref_squeeze %dma_wait3A_68 : memref<1x128xi32, #tpu.memory_space<vmem>> -> memref<128xi32, #tpu.memory_space<vmem>>
    %dma_wait3A_70 = arith.constant 0 : i32
    %dma_wait3A_71 = arith.constant 0 : i32
    %dma_wait3A_72 = tpu.memref_slice %arg3[%dma_wait3A_70, %dma_wait3A_71] : memref<8192x32xf32, #tpu.memory_space<hbm>> -> memref<8192x32xf32, #tpu.memory_space<hbm>>
    tpu.wait_indirect_dma semaphore(%arg7 : memref<!tpu.dma_semaphore, #tpu.memory_space<semaphore_mem>>) src(%dma_wait3A_72 : memref<8192x32xf32, #tpu.memory_space<hbm>>) dst(%dma_wait3A_66 : memref<128x32xf32, #tpu.memory_space<vmem>>)
    %dma_wait3A_73 = arith.constant 2 : i32
    %dma_wait3A_74 = arith.constant 2 : i32
    %dma_wait3A_75 = arith.constant 0 : i32
    %dma_wait3A_76 = arith.constant 0 : i32
    %dma_wait3A_77 = tpu.memref_slice %arg6[%dma_wait3A_74, %dma_wait3A_75, %dma_wait3A_76] : memref<4x128x32xf32, #tpu.memory_space<vmem>> -> memref<1x128x32xf32, #tpu.memory_space<vmem>>
    %dma_wait3A_78 = tpu.memref_squeeze %dma_wait3A_77 : memref<1x128x32xf32, #tpu.memory_space<vmem>> -> memref<128x32xf32, #tpu.memory_space<vmem>>
    %dma_wait3A_79 = arith.constant 0 : i32
    %dma_wait3A_80 = tpu.memref_slice %arg5[%dma_wait3A_73, %dma_wait3A_79] : memref<4x128xi32, #tpu.memory_space<vmem>> -> memref<1x128xi32, #tpu.memory_space<vmem>>
    %dma_wait3A_81 = tpu.memref_squeeze %dma_wait3A_80 : memref<1x128xi32, #tpu.memory_space<vmem>> -> memref<128xi32, #tpu.memory_space<vmem>>
    %dma_wait3A_82 = arith.constant 0 : i32
    %dma_wait3A_83 = arith.constant 0 : i32
    %dma_wait3A_84 = tpu.memref_slice %arg3[%dma_wait3A_82, %dma_wait3A_83] : memref<8192x32xf32, #tpu.memory_space<hbm>> -> memref<8192x32xf32, #tpu.memory_space<hbm>>
    tpu.wait_indirect_dma semaphore(%arg7 : memref<!tpu.dma_semaphore, #tpu.memory_space<semaphore_mem>>) src(%dma_wait3A_84 : memref<8192x32xf32, #tpu.memory_space<hbm>>) dst(%dma_wait3A_78 : memref<128x32xf32, #tpu.memory_space<vmem>>)
    %dma_wait3A_85 = arith.constant 3 : i32
    %dma_wait3A_86 = arith.constant 3 : i32
    %dma_wait3A_87 = arith.constant 0 : i32
    %dma_wait3A_88 = arith.constant 0 : i32
    %dma_wait3A_89 = tpu.memref_slice %arg6[%dma_wait3A_86, %dma_wait3A_87, %dma_wait3A_88] : memref<4x128x32xf32, #tpu.memory_space<vmem>> -> memref<1x128x32xf32, #tpu.memory_space<vmem>>
    %dma_wait3A_90 = tpu.memref_squeeze %dma_wait3A_89 : memref<1x128x32xf32, #tpu.memory_space<vmem>> -> memref<128x32xf32, #tpu.memory_space<vmem>>
    %dma_wait3A_91 = arith.constant 0 : i32
    %dma_wait3A_92 = tpu.memref_slice %arg5[%dma_wait3A_85, %dma_wait3A_91] : memref<4x128xi32, #tpu.memory_space<vmem>> -> memref<1x128xi32, #tpu.memory_space<vmem>>
    %dma_wait3A_93 = tpu.memref_squeeze %dma_wait3A_92 : memref<1x128xi32, #tpu.memory_space<vmem>> -> memref<128xi32, #tpu.memory_space<vmem>>
    %dma_wait3A_94 = arith.constant 0 : i32
    %dma_wait3A_95 = arith.constant 0 : i32
    %dma_wait3A_96 = tpu.memref_slice %arg3[%dma_wait3A_94, %dma_wait3A_95] : memref<8192x32xf32, #tpu.memory_space<hbm>> -> memref<8192x32xf32, #tpu.memory_space<hbm>>
    tpu.wait_indirect_dma semaphore(%arg7 : memref<!tpu.dma_semaphore, #tpu.memory_space<semaphore_mem>>) src(%dma_wait3A_96 : memref<8192x32xf32, #tpu.memory_space<hbm>>) dst(%dma_wait3A_90 : memref<128x32xf32, #tpu.memory_space<vmem>>)
    "tpu.region"() ({
      %run_scoped3A = tpu.sem_alloc : memref<!tpu.dma_semaphore, #tpu.memory_space<semaphore_mem>>
      %dma_start3A_97 = arith.constant 0 : i32
      %dma_start3A_98 = arith.constant 0 : i32
      %dma_start3A_99 = tpu.memref_slice %arg4[%mul3A_2, %dma_start3A_97, %dma_start3A_98] : memref<128x128x32xf32, #tpu.memory_space<hbm>> -> memref<4x128x32xf32, #tpu.memory_space<hbm>>
      %dma_start3A_100 = arith.constant 0 : i32
      %dma_start3A_101 = arith.constant 0 : i32
      %dma_start3A_102 = tpu.memref_slice %arg4[%mul3A_2, %dma_start3A_100, %dma_start3A_101] : memref<128x128x32xf32, #tpu.memory_space<hbm>> -> memref<4x128x32xf32, #tpu.memory_space<hbm>>
      tpu.enqueue_dma source(%arg6 : memref<4x128x32xf32, #tpu.memory_space<vmem>>) target(%dma_start3A_102 : memref<4x128x32xf32, #tpu.memory_space<hbm>>) target_semaphore(%run_scoped3A : memref<!tpu.dma_semaphore, #tpu.memory_space<semaphore_mem>>)
      %dma_wait3A_103 = arith.constant 0 : i32
      %dma_wait3A_104 = arith.constant 0 : i32
      %dma_wait3A_105 = tpu.memref_slice %arg4[%mul3A_2, %dma_wait3A_103, %dma_wait3A_104] : memref<128x128x32xf32, #tpu.memory_space<hbm>> -> memref<4x128x32xf32, #tpu.memory_space<hbm>>
      %dma_wait3A_106 = arith.constant 0 : i32
      %dma_wait3A_107 = arith.constant 0 : i32
      %dma_wait3A_108 = tpu.memref_slice %arg4[%mul3A_2, %dma_wait3A_106, %dma_wait3A_107] : memref<128x128x32xf32, #tpu.memory_space<hbm>> -> memref<4x128x32xf32, #tpu.memory_space<hbm>>
      tpu.wait_dma2 semaphore(%run_scoped3A : memref<!tpu.dma_semaphore, #tpu.memory_space<semaphore_mem>>) src(%arg6 : memref<4x128x32xf32, #tpu.memory_space<vmem>>) dst(%dma_wait3A_108 : memref<4x128x32xf32, #tpu.memory_space<hbm>>)
      tpu.yield
    }) : () -> ()
    return
  }
}

module attributes {stable_mosaic.version = 14 : i64} {
  func.func @_argmin_body(%arg0: i32, %arg1: memref<1024x32xf32, #tpu.memory_space<vmem>>, %arg2: memref<32x32xf32, #tpu.memory_space<vmem>>, %arg3: memref<32xf32, #tpu.memory_space<vmem>>, %arg4: memref<32x8192xf32, #tpu.memory_space<vmem>>, %arg5: memref<1024xf32, #tpu.memory_space<vmem>>, %arg6: memref<1x1xf32, #tpu.memory_space<smem>>, %arg7: memref<1024x32xf32, #tpu.memory_space<vmem>>, %arg8: memref<1024xi32, #tpu.memory_space<vmem>>, %arg9: memref<1024xi32, #tpu.memory_space<vmem>>) attributes {dimension_semantics = [#tpu.dimension_semantics<arbitrary>], iteration_bounds = array<i64: 8>, scalar_prefetch = 0 : i64, scratch_operands = 0 : i64, tpu.core_type = #tpu.core_type<tc>, window_params = [{transform_indices = @transform_0, window_bounds = array<i64: 1024, 32>}, {pipeline_mode = #tpu.pipeline_mode<synchronous>, transform_indices = @transform_1, window_bounds = array<i64: 32, 32>}, {pipeline_mode = #tpu.pipeline_mode<synchronous>, transform_indices = @transform_2, window_bounds = array<i64: 32>}, {pipeline_mode = #tpu.pipeline_mode<synchronous>, transform_indices = @transform_3, window_bounds = array<i64: 32, 8192>}, {transform_indices = @transform_4, window_bounds = array<i64: 1024>}, {transform_indices = @transform_5, window_bounds = array<i64: 1, 1>}, {transform_indices = @transform_6, window_bounds = array<i64: 1024, 32>}, {transform_indices = @transform_7, window_bounds = array<i64: 1024>}, {transform_indices = @transform_8, window_bounds = array<i64: 1024>}]} {
    %get3A = arith.constant 0 : index
    %get3A_0 = arith.constant 0 : index
    %get3A_1 = vector.load %arg1[%get3A, %get3A_0] : memref<1024x32xf32, #tpu.memory_space<vmem>>, vector<1024x32xf32>
    %get3A_2 = arith.constant 0 : index
    %get3A_3 = arith.constant 0 : index
    %get3A_4 = vector.load %arg2[%get3A_2, %get3A_3] : memref<32x32xf32, #tpu.memory_space<vmem>>, vector<32x32xf32>
    %dot_general3A = arith.constant dense<0.000000e+00> : vector<1024x32xf32>
    %dot_general3A_5 = tpu.matmul %get3A_1, %get3A_4, %dot_general3A {dimension_numbers = #tpu.dot_dimension_numbers<[1], [0], [0], [1], [0, 0, 1, 1], [], []>, transpose_lhs_hint = false} : vector<1024x32xf32>, vector<32x32xf32>, vector<1024x32xf32> -> vector<1024x32xf32>
    %get3A_6 = arith.constant 0 : index
    %get3A_7 = vector.load %arg3[%get3A_6] : memref<32xf32, #tpu.memory_space<vmem>>, vector<32xf32>
    %broadcast_in_dim3A = vector.shape_cast %get3A_7 : vector<32xf32> to vector<1x32xf32>
    %add3A = vector.broadcast %broadcast_in_dim3A : vector<1x32xf32> to vector<1024x32xf32>
    %add3A_8 = arith.addf %dot_general3A_5, %add3A : vector<1024x32xf32>
    %swap3A = arith.constant 0 : index
    %swap3A_9 = arith.constant 0 : index
    %swap3A_10 = vector.load %arg7[%swap3A, %swap3A_9] : memref<1024x32xf32, #tpu.memory_space<vmem>>, vector<1024x32xf32>
    tpu.vector_store %arg7[%swap3A, %swap3A_9], %add3A_8 {strides = array<i32>} : memref<1024x32xf32, #tpu.memory_space<vmem>>, vector<1024x32xf32>,
    %convert_element_type3A = arith.truncf %add3A_8 : vector<1024x32xf32> to vector<1024x32xbf16>
    %mul3A = arith.mulf %add3A_8, %add3A_8 : vector<1024x32xf32>
    %reduce_sum3A = arith.constant dense<0.000000e+00> : vector<1024xf32>
    %reduce_sum3A_11 = vector.multi_reduction <add>, %mul3A, %reduce_sum3A [1] : vector<1024x32xf32> to vector<1024xf32>
    %broadcast_in_dim3A_12 = arith.constant 0x7F800000 : f32
    %broadcast_in_dim3A_13 = vector.broadcast %broadcast_in_dim3A_12 : f32 to vector<1024xf32>
    %broadcast_in_dim3A_14 = arith.constant 0 : i32
    %broadcast_in_dim3A_15 = vector.broadcast %broadcast_in_dim3A_14 : i32 to vector<1024xi32>
    %iota3A = tpu.iota {dimensions = array<i32: 1>} : vector<1024x2048xi32>
    %get3A_16 = arith.constant 0 : index
    %get3A_17 = arith.constant 0 : index
    %get3A_18 = vector.load %arg4[%get3A_16, %get3A_17] : memref<32x8192xf32, #tpu.memory_space<vmem>>, vector<32x2048xf32>
    %mul3A_19 = arith.mulf %get3A_18, %get3A_18 : vector<32x2048xf32>
    %reduce_sum3A_20 = arith.constant dense<0.000000e+00> : vector<2048xf32>
    %reduce_sum3A_21 = vector.multi_reduction <add>, %mul3A_19, %reduce_sum3A_20 [0] : vector<32x2048xf32> to vector<2048xf32>
    %convert_element_type3A_22 = arith.truncf %get3A_18 : vector<32x2048xf32> to vector<32x2048xbf16>
    %dot_general3A_23 = arith.constant dense<0.000000e+00> : vector<1024x2048xf32>
    %dot_general3A_24 = tpu.matmul %convert_element_type3A, %convert_element_type3A_22, %dot_general3A_23 {dimension_numbers = #tpu.dot_dimension_numbers<[1], [0], [0], [1], [0, 0, 1, 1], [], []>, transpose_lhs_hint = false} : vector<1024x32xbf16>, vector<32x2048xbf16>, vector<1024x2048xf32> -> vector<1024x2048xf32>
    %broadcast_in_dim3A_25 = vector.shape_cast %reduce_sum3A_11 : vector<1024xf32> to vector<1024x1xf32>
    %broadcast_in_dim3A_26 = vector.shape_cast %reduce_sum3A_21 : vector<2048xf32> to vector<1x2048xf32>
    %add3A_27 = vector.broadcast %broadcast_in_dim3A_25 : vector<1024x1xf32> to vector<1024x2048xf32>
    %add3A_28 = vector.broadcast %broadcast_in_dim3A_26 : vector<1x2048xf32> to vector<1024x2048xf32>
    %add3A_29 = arith.addf %add3A_27, %add3A_28 : vector<1024x2048xf32>
    %mul3A_30 = arith.constant 2.000000e+00 : f32
    %mul3A_31 = vector.broadcast %mul3A_30 : f32 to vector<1024x2048xf32>
    %mul3A_32 = arith.mulf %mul3A_31, %dot_general3A_24 : vector<1024x2048xf32>
    %sub3A = arith.subf %add3A_29, %mul3A_32 : vector<1024x2048xf32>
    %reduce_min3A = arith.constant dense<0x7F800000> : vector<1024xf32>
    %reduce_min3A_33 = vector.multi_reduction <minimumf>, %sub3A, %reduce_min3A [1] : vector<1024x2048xf32> to vector<1024xf32>
    %broadcast_in_dim3A_34 = vector.shape_cast %reduce_min3A_33 : vector<1024xf32> to vector<1024x1xf32>
    %eq3A = vector.broadcast %broadcast_in_dim3A_34 : vector<1024x1xf32> to vector<1024x2048xf32>
    %eq3A_35 = arith.cmpf oeq, %sub3A, %eq3A : vector<1024x2048xf32>
    %jit3A = arith.constant 2048 : i32
    %broadcast_in_dim3A_36 = vector.broadcast %jit3A : i32 to vector<1024x2048xi32>
    %select_n3A = arith.select %eq3A_35, %iota3A, %broadcast_in_dim3A_36 : vector<1024x2048xi1>, vector<1024x2048xi32>
    %reduce_min3A_37 = arith.constant dense<2147483647> : vector<1024xi32>
    %reduce_min3A_38 = vector.multi_reduction <minsi>, %select_n3A, %reduce_min3A_37 [1] : vector<1024x2048xi32> to vector<1024xi32>
    %add3A_39 = arith.constant 0 : i32
    %add3A_40 = vector.broadcast %add3A_39 : i32 to vector<1024xi32>
    %add3A_41 = arith.addi %reduce_min3A_38, %add3A_40 : vector<1024xi32>
    %lt3A = arith.cmpf olt, %reduce_min3A_33, %broadcast_in_dim3A_13 : vector<1024xf32>
    %select_n3A_42 = arith.select %lt3A, %add3A_41, %broadcast_in_dim3A_15 : vector<1024xi1>, vector<1024xi32>
    %select_n3A_43 = arith.select %lt3A, %reduce_min3A_33, %broadcast_in_dim3A_13 : vector<1024xi1>, vector<1024xf32>
    %convert_element_type3A_44 = arith.truncf %select_n3A_43 : vector<1024xf32> to vector<1024xbf16>
    %convert_element_type3A_45 = arith.extf %convert_element_type3A_44 : vector<1024xbf16> to vector<1024xf32>
    %get3A_46 = arith.constant 0 : index
    %get3A_47 = arith.constant 2048 : index
    %get3A_48 = vector.load %arg4[%get3A_46, %get3A_47] : memref<32x8192xf32, #tpu.memory_space<vmem>>, vector<32x2048xf32>
    %mul3A_49 = arith.mulf %get3A_48, %get3A_48 : vector<32x2048xf32>
    %reduce_sum3A_50 = arith.constant dense<0.000000e+00> : vector<2048xf32>
    %reduce_sum3A_51 = vector.multi_reduction <add>, %mul3A_49, %reduce_sum3A_50 [0] : vector<32x2048xf32> to vector<2048xf32>
    %convert_element_type3A_52 = arith.truncf %get3A_48 : vector<32x2048xf32> to vector<32x2048xbf16>
    %dot_general3A_53 = arith.constant dense<0.000000e+00> : vector<1024x2048xf32>
    %dot_general3A_54 = tpu.matmul %convert_element_type3A, %convert_element_type3A_52, %dot_general3A_53 {dimension_numbers = #tpu.dot_dimension_numbers<[1], [0], [0], [1], [0, 0, 1, 1], [], []>, transpose_lhs_hint = false} : vector<1024x32xbf16>, vector<32x2048xbf16>, vector<1024x2048xf32> -> vector<1024x2048xf32>
    %broadcast_in_dim3A_55 = vector.shape_cast %reduce_sum3A_11 : vector<1024xf32> to vector<1024x1xf32>
    %broadcast_in_dim3A_56 = vector.shape_cast %reduce_sum3A_51 : vector<2048xf32> to vector<1x2048xf32>
    %add3A_57 = vector.broadcast %broadcast_in_dim3A_55 : vector<1024x1xf32> to vector<1024x2048xf32>
    %add3A_58 = vector.broadcast %broadcast_in_dim3A_56 : vector<1x2048xf32> to vector<1024x2048xf32>
    %add3A_59 = arith.addf %add3A_57, %add3A_58 : vector<1024x2048xf32>
    %mul3A_60 = arith.constant 2.000000e+00 : f32
    %mul3A_61 = vector.broadcast %mul3A_60 : f32 to vector<1024x2048xf32>
    %mul3A_62 = arith.mulf %mul3A_61, %dot_general3A_54 : vector<1024x2048xf32>
    %sub3A_63 = arith.subf %add3A_59, %mul3A_62 : vector<1024x2048xf32>
    %reduce_min3A_64 = arith.constant dense<0x7F800000> : vector<1024xf32>
    %reduce_min3A_65 = vector.multi_reduction <minimumf>, %sub3A_63, %reduce_min3A_64 [1] : vector<1024x2048xf32> to vector<1024xf32>
    %broadcast_in_dim3A_66 = vector.shape_cast %reduce_min3A_65 : vector<1024xf32> to vector<1024x1xf32>
    %eq3A_67 = vector.broadcast %broadcast_in_dim3A_66 : vector<1024x1xf32> to vector<1024x2048xf32>
    %eq3A_68 = arith.cmpf oeq, %sub3A_63, %eq3A_67 : vector<1024x2048xf32>
    %jit3A_69 = arith.constant 2048 : i32
    %broadcast_in_dim3A_70 = vector.broadcast %jit3A_69 : i32 to vector<1024x2048xi32>
    %select_n3A_71 = arith.select %eq3A_68, %iota3A, %broadcast_in_dim3A_70 : vector<1024x2048xi1>, vector<1024x2048xi32>
    %reduce_min3A_72 = arith.constant dense<2147483647> : vector<1024xi32>
    %reduce_min3A_73 = vector.multi_reduction <minsi>, %select_n3A_71, %reduce_min3A_72 [1] : vector<1024x2048xi32> to vector<1024xi32>
    %add3A_74 = arith.constant 2048 : i32
    %add3A_75 = vector.broadcast %add3A_74 : i32 to vector<1024xi32>
    %add3A_76 = arith.addi %reduce_min3A_73, %add3A_75 : vector<1024xi32>
    %lt3A_77 = arith.cmpf olt, %reduce_min3A_65, %convert_element_type3A_45 : vector<1024xf32>
    %select_n3A_78 = arith.select %lt3A_77, %add3A_76, %select_n3A_42 : vector<1024xi1>, vector<1024xi32>
    %select_n3A_79 = arith.select %lt3A_77, %reduce_min3A_65, %convert_element_type3A_45 : vector<1024xi1>, vector<1024xf32>
    %convert_element_type3A_80 = arith.truncf %select_n3A_79 : vector<1024xf32> to vector<1024xbf16>
    %convert_element_type3A_81 = arith.extf %convert_element_type3A_80 : vector<1024xbf16> to vector<1024xf32>
    %get3A_82 = arith.constant 0 : index
    %get3A_83 = arith.constant 4096 : index
    %get3A_84 = vector.load %arg4[%get3A_82, %get3A_83] : memref<32x8192xf32, #tpu.memory_space<vmem>>, vector<32x2048xf32>
    %mul3A_85 = arith.mulf %get3A_84, %get3A_84 : vector<32x2048xf32>
    %reduce_sum3A_86 = arith.constant dense<0.000000e+00> : vector<2048xf32>
    %reduce_sum3A_87 = vector.multi_reduction <add>, %mul3A_85, %reduce_sum3A_86 [0] : vector<32x2048xf32> to vector<2048xf32>
    %convert_element_type3A_88 = arith.truncf %get3A_84 : vector<32x2048xf32> to vector<32x2048xbf16>
    %dot_general3A_89 = arith.constant dense<0.000000e+00> : vector<1024x2048xf32>
    %dot_general3A_90 = tpu.matmul %convert_element_type3A, %convert_element_type3A_88, %dot_general3A_89 {dimension_numbers = #tpu.dot_dimension_numbers<[1], [0], [0], [1], [0, 0, 1, 1], [], []>, transpose_lhs_hint = false} : vector<1024x32xbf16>, vector<32x2048xbf16>, vector<1024x2048xf32> -> vector<1024x2048xf32>
    %broadcast_in_dim3A_91 = vector.shape_cast %reduce_sum3A_11 : vector<1024xf32> to vector<1024x1xf32>
    %broadcast_in_dim3A_92 = vector.shape_cast %reduce_sum3A_87 : vector<2048xf32> to vector<1x2048xf32>
    %add3A_93 = vector.broadcast %broadcast_in_dim3A_91 : vector<1024x1xf32> to vector<1024x2048xf32>
    %add3A_94 = vector.broadcast %broadcast_in_dim3A_92 : vector<1x2048xf32> to vector<1024x2048xf32>
    %add3A_95 = arith.addf %add3A_93, %add3A_94 : vector<1024x2048xf32>
    %mul3A_96 = arith.constant 2.000000e+00 : f32
    %mul3A_97 = vector.broadcast %mul3A_96 : f32 to vector<1024x2048xf32>
    %mul3A_98 = arith.mulf %mul3A_97, %dot_general3A_90 : vector<1024x2048xf32>
    %sub3A_99 = arith.subf %add3A_95, %mul3A_98 : vector<1024x2048xf32>
    %reduce_min3A_100 = arith.constant dense<0x7F800000> : vector<1024xf32>
    %reduce_min3A_101 = vector.multi_reduction <minimumf>, %sub3A_99, %reduce_min3A_100 [1] : vector<1024x2048xf32> to vector<1024xf32>
    %broadcast_in_dim3A_102 = vector.shape_cast %reduce_min3A_101 : vector<1024xf32> to vector<1024x1xf32>
    %eq3A_103 = vector.broadcast %broadcast_in_dim3A_102 : vector<1024x1xf32> to vector<1024x2048xf32>
    %eq3A_104 = arith.cmpf oeq, %sub3A_99, %eq3A_103 : vector<1024x2048xf32>
    %jit3A_105 = arith.constant 2048 : i32
    %broadcast_in_dim3A_106 = vector.broadcast %jit3A_105 : i32 to vector<1024x2048xi32>
    %select_n3A_107 = arith.select %eq3A_104, %iota3A, %broadcast_in_dim3A_106 : vector<1024x2048xi1>, vector<1024x2048xi32>
    %reduce_min3A_108 = arith.constant dense<2147483647> : vector<1024xi32>
    %reduce_min3A_109 = vector.multi_reduction <minsi>, %select_n3A_107, %reduce_min3A_108 [1] : vector<1024x2048xi32> to vector<1024xi32>
    %add3A_110 = arith.constant 4096 : i32
    %add3A_111 = vector.broadcast %add3A_110 : i32 to vector<1024xi32>
    %add3A_112 = arith.addi %reduce_min3A_109, %add3A_111 : vector<1024xi32>
    %lt3A_113 = arith.cmpf olt, %reduce_min3A_101, %convert_element_type3A_81 : vector<1024xf32>
    %select_n3A_114 = arith.select %lt3A_113, %add3A_112, %select_n3A_78 : vector<1024xi1>, vector<1024xi32>
    %select_n3A_115 = arith.select %lt3A_113, %reduce_min3A_101, %convert_element_type3A_81 : vector<1024xi1>, vector<1024xf32>
    %convert_element_type3A_116 = arith.truncf %select_n3A_115 : vector<1024xf32> to vector<1024xbf16>
    %convert_element_type3A_117 = arith.extf %convert_element_type3A_116 : vector<1024xbf16> to vector<1024xf32>
    %get3A_118 = arith.constant 0 : index
    %get3A_119 = arith.constant 6144 : index
    %get3A_120 = vector.load %arg4[%get3A_118, %get3A_119] : memref<32x8192xf32, #tpu.memory_space<vmem>>, vector<32x2048xf32>
    %mul3A_121 = arith.mulf %get3A_120, %get3A_120 : vector<32x2048xf32>
    %reduce_sum3A_122 = arith.constant dense<0.000000e+00> : vector<2048xf32>
    %reduce_sum3A_123 = vector.multi_reduction <add>, %mul3A_121, %reduce_sum3A_122 [0] : vector<32x2048xf32> to vector<2048xf32>
    %convert_element_type3A_124 = arith.truncf %get3A_120 : vector<32x2048xf32> to vector<32x2048xbf16>
    %dot_general3A_125 = arith.constant dense<0.000000e+00> : vector<1024x2048xf32>
    %dot_general3A_126 = tpu.matmul %convert_element_type3A, %convert_element_type3A_124, %dot_general3A_125 {dimension_numbers = #tpu.dot_dimension_numbers<[1], [0], [0], [1], [0, 0, 1, 1], [], []>, transpose_lhs_hint = false} : vector<1024x32xbf16>, vector<32x2048xbf16>, vector<1024x2048xf32> -> vector<1024x2048xf32>
    %broadcast_in_dim3A_127 = vector.shape_cast %reduce_sum3A_11 : vector<1024xf32> to vector<1024x1xf32>
    %broadcast_in_dim3A_128 = vector.shape_cast %reduce_sum3A_123 : vector<2048xf32> to vector<1x2048xf32>
    %add3A_129 = vector.broadcast %broadcast_in_dim3A_127 : vector<1024x1xf32> to vector<1024x2048xf32>
    %add3A_130 = vector.broadcast %broadcast_in_dim3A_128 : vector<1x2048xf32> to vector<1024x2048xf32>
    %add3A_131 = arith.addf %add3A_129, %add3A_130 : vector<1024x2048xf32>
    %mul3A_132 = arith.constant 2.000000e+00 : f32
    %mul3A_133 = vector.broadcast %mul3A_132 : f32 to vector<1024x2048xf32>
    %mul3A_134 = arith.mulf %mul3A_133, %dot_general3A_126 : vector<1024x2048xf32>
    %sub3A_135 = arith.subf %add3A_131, %mul3A_134 : vector<1024x2048xf32>
    %reduce_min3A_136 = arith.constant dense<0x7F800000> : vector<1024xf32>
    %reduce_min3A_137 = vector.multi_reduction <minimumf>, %sub3A_135, %reduce_min3A_136 [1] : vector<1024x2048xf32> to vector<1024xf32>
    %broadcast_in_dim3A_138 = vector.shape_cast %reduce_min3A_137 : vector<1024xf32> to vector<1024x1xf32>
    %eq3A_139 = vector.broadcast %broadcast_in_dim3A_138 : vector<1024x1xf32> to vector<1024x2048xf32>
    %eq3A_140 = arith.cmpf oeq, %sub3A_135, %eq3A_139 : vector<1024x2048xf32>
    %jit3A_141 = arith.constant 2048 : i32
    %broadcast_in_dim3A_142 = vector.broadcast %jit3A_141 : i32 to vector<1024x2048xi32>
    %select_n3A_143 = arith.select %eq3A_140, %iota3A, %broadcast_in_dim3A_142 : vector<1024x2048xi1>, vector<1024x2048xi32>
    %reduce_min3A_144 = arith.constant dense<2147483647> : vector<1024xi32>
    %reduce_min3A_145 = vector.multi_reduction <minsi>, %select_n3A_143, %reduce_min3A_144 [1] : vector<1024x2048xi32> to vector<1024xi32>
    %add3A_146 = arith.constant 6144 : i32
    %add3A_147 = vector.broadcast %add3A_146 : i32 to vector<1024xi32>
    %add3A_148 = arith.addi %reduce_min3A_145, %add3A_147 : vector<1024xi32>
    %lt3A_149 = arith.cmpf olt, %reduce_min3A_137, %convert_element_type3A_117 : vector<1024xf32>
    %select_n3A_150 = arith.select %lt3A_149, %add3A_148, %select_n3A_114 : vector<1024xi1>, vector<1024xi32>
    %swap3A_151 = arith.constant 0 : index
    %swap3A_152 = vector.load %arg8[%swap3A_151] : memref<1024xi32, #tpu.memory_space<vmem>>, vector<1024xi32>
    tpu.vector_store %arg8[%swap3A_151], %select_n3A_150 {strides = array<i32>} : memref<1024xi32, #tpu.memory_space<vmem>>, vector<1024xi32>,
    %get3A_153 = arith.constant 0 : index
    %get3A_154 = vector.load %arg5[%get3A_153] : memref<1024xf32, #tpu.memory_space<vmem>>, vector<1024xf32>
    %get3A_155 = arith.constant 0 : index
    %get3A_156 = arith.constant 0 : index
    %get3A_157 = memref.load %arg6[%get3A_155, %get3A_156] : memref<1x1xf32, #tpu.memory_space<smem>>
    %mul3A_158 = vector.broadcast %get3A_157 : f32 to vector<1024xf32>
    %mul3A_159 = arith.mulf %get3A_154, %mul3A_158 : vector<1024xf32>
    %round3A = math.roundeven %mul3A_159 : vector<1024xf32>
    %convert_element_type3A_160 = arith.fptosi %round3A : vector<1024xf32> to vector<1024xi32>
    %add3A_161 = arith.addi %select_n3A_150, %convert_element_type3A_160 : vector<1024xi32>
    %jit3A_162 = arith.constant 0 : i32
    %jit3A_163 = arith.constant 8191 : i32
    %max3A = vector.broadcast %jit3A_162 : i32 to vector<1024xi32>
    %max3A_164 = arith.maxsi %max3A, %add3A_161 : vector<1024xi32>
    %min3A = vector.broadcast %jit3A_163 : i32 to vector<1024xi32>
    %min3A_165 = arith.minsi %min3A, %max3A_164 : vector<1024xi32>
    %swap3A_166 = arith.constant 0 : index
    %swap3A_167 = vector.load %arg9[%swap3A_166] : memref<1024xi32, #tpu.memory_space<vmem>>, vector<1024xi32>
    tpu.vector_store %arg9[%swap3A_166], %min3A_165 {strides = array<i32>} : memref<1024xi32, #tpu.memory_space<vmem>>, vector<1024xi32>,
    return
  }
  func.func @transform_0(%arg0: i32) -> (i32, i32) {
    %c0_i32 = arith.constant 0 : i32
    %c0_i32_0 = arith.constant 0 : i32
    return %arg0, %c0_i32 : i32, i32
  }
  func.func @transform_1(%arg0: i32) -> (i32, i32) {
    %c0_i32 = arith.constant 0 : i32
    %c0_i32_0 = arith.constant 0 : i32
    %c0_i32_1 = arith.constant 0 : i32
    return %c0_i32, %c0_i32_0 : i32, i32
  }
  func.func @transform_2(%arg0: i32) -> i32 {
    %c0_i32 = arith.constant 0 : i32
    %c0_i32_0 = arith.constant 0 : i32
    return %c0_i32 : i32
  }
  func.func @transform_3(%arg0: i32) -> (i32, i32) {
    %c0_i32 = arith.constant 0 : i32
    %c0_i32_0 = arith.constant 0 : i32
    %c0_i32_1 = arith.constant 0 : i32
    return %c0_i32, %c0_i32_0 : i32, i32
  }
  func.func @transform_4(%arg0: i32) -> i32 {
    %c0_i32 = arith.constant 0 : i32
    return %arg0 : i32
  }
  func.func @transform_5(%arg0: i32) -> (i32, i32) {
    %c0_i32 = arith.constant 0 : i32
    %c0_i32_0 = arith.constant 0 : i32
    %c0_i32_1 = arith.constant 0 : i32
    return %c0_i32, %c0_i32_0 : i32, i32
  }
  func.func @transform_6(%arg0: i32) -> (i32, i32) {
    %c0_i32 = arith.constant 0 : i32
    %c0_i32_0 = arith.constant 0 : i32
    return %arg0, %c0_i32 : i32, i32
  }
  func.func @transform_7(%arg0: i32) -> i32 {
    %c0_i32 = arith.constant 0 : i32
    return %arg0 : i32
  }
  func.func @transform_8(%arg0: i32) -> i32 {
    %c0_i32 = arith.constant 0 : i32
    return %arg0 : i32
  }
}

module attributes {stable_mosaic.version = 14 : i64} {
  func.func @_post_body(%arg0: i32, %arg1: memref<8192x32xf32, #tpu.memory_space<vmem>>, %arg2: memref<8192x32xf32, #tpu.memory_space<vmem>>, %arg3: memref<8192x32xf32, #tpu.memory_space<vmem>>, %arg4: memref<8192x32xf32, #tpu.memory_space<vmem>>, %arg5: memref<32x32xf32, #tpu.memory_space<vmem>>, %arg6: memref<32xf32, #tpu.memory_space<vmem>>, %arg7: memref<8192x32xf32, #tpu.memory_space<vmem>>, %arg8: memref<1x1xf32, #tpu.memory_space<smem>>) attributes {dimension_semantics = [#tpu.dimension_semantics<arbitrary>], iteration_bounds = array<i64: 1>, scalar_prefetch = 0 : i64, scratch_operands = 0 : i64, tpu.core_type = #tpu.core_type<tc>, window_params = [{pipeline_mode = #tpu.pipeline_mode<synchronous>, transform_indices = @transform_0, window_bounds = array<i64: 8192, 32>}, {pipeline_mode = #tpu.pipeline_mode<synchronous>, transform_indices = @transform_1, window_bounds = array<i64: 8192, 32>}, {pipeline_mode = #tpu.pipeline_mode<synchronous>, transform_indices = @transform_2, window_bounds = array<i64: 8192, 32>}, {pipeline_mode = #tpu.pipeline_mode<synchronous>, transform_indices = @transform_3, window_bounds = array<i64: 8192, 32>}, {pipeline_mode = #tpu.pipeline_mode<synchronous>, transform_indices = @transform_4, window_bounds = array<i64: 32, 32>}, {pipeline_mode = #tpu.pipeline_mode<synchronous>, transform_indices = @transform_5, window_bounds = array<i64: 32>}, {pipeline_mode = #tpu.pipeline_mode<synchronous>, transform_indices = @transform_6, window_bounds = array<i64: 8192, 32>}, {transform_indices = @transform_7, window_bounds = array<i64: 1, 1>}]} {
    %get3A = arith.constant 0 : index
    %get3A_0 = arith.constant 0 : index
    %get3A_1 = vector.load %arg1[%get3A, %get3A_0] : memref<8192x32xf32, #tpu.memory_space<vmem>>, vector<8192x32xf32>
    %get3A_2 = arith.constant 0 : index
    %get3A_3 = arith.constant 0 : index
    %get3A_4 = vector.load %arg2[%get3A_2, %get3A_3] : memref<8192x32xf32, #tpu.memory_space<vmem>>, vector<8192x32xf32>
    %get3A_5 = arith.constant 0 : index
    %get3A_6 = arith.constant 0 : index
    %get3A_7 = vector.load %arg3[%get3A_5, %get3A_6] : memref<8192x32xf32, #tpu.memory_space<vmem>>, vector<8192x32xf32>
    %sub3A = arith.subf %get3A_7, %get3A_1 : vector<8192x32xf32>
    %add3A = arith.addf %get3A_1, %sub3A : vector<8192x32xf32>
    %get3A_8 = arith.constant 0 : index
    %get3A_9 = arith.constant 0 : index
    %get3A_10 = vector.load %arg5[%get3A_8, %get3A_9] : memref<32x32xf32, #tpu.memory_space<vmem>>, vector<32x32xf32>
    %dot_general3A = arith.constant dense<0.000000e+00> : vector<8192x32xf32>
    %dot_general3A_11 = tpu.matmul %add3A, %get3A_10, %dot_general3A {dimension_numbers = #tpu.dot_dimension_numbers<[1], [0], [0], [1], [0, 0, 1, 1], [], []>, transpose_lhs_hint = false} : vector<8192x32xf32>, vector<32x32xf32>, vector<8192x32xf32> -> vector<8192x32xf32>
    %get3A_12 = arith.constant 0 : index
    %get3A_13 = vector.load %arg6[%get3A_12] : memref<32xf32, #tpu.memory_space<vmem>>, vector<32xf32>
    %broadcast_in_dim3A = vector.shape_cast %get3A_13 : vector<32xf32> to vector<1x32xf32>
    %add3A_14 = vector.broadcast %broadcast_in_dim3A : vector<1x32xf32> to vector<8192x32xf32>
    %add3A_15 = arith.addf %dot_general3A_11, %add3A_14 : vector<8192x32xf32>
    %swap3A = arith.constant 0 : index
    %swap3A_16 = arith.constant 0 : index
    %swap3A_17 = vector.load %arg7[%swap3A, %swap3A_16] : memref<8192x32xf32, #tpu.memory_space<vmem>>, vector<8192x32xf32>
    tpu.vector_store %arg7[%swap3A, %swap3A_16], %add3A_15 {strides = array<i32>} : memref<8192x32xf32, #tpu.memory_space<vmem>>, vector<8192x32xf32>,
    %get3A_18 = arith.constant 0 : index
    %get3A_19 = arith.constant 0 : index
    %get3A_20 = vector.load %arg4[%get3A_18, %get3A_19] : memref<8192x32xf32, #tpu.memory_space<vmem>>, vector<8192x32xf32>
    %sub3A_21 = arith.subf %add3A_15, %get3A_20 : vector<8192x32xf32>
    %integer_pow3A = arith.mulf %sub3A_21, %sub3A_21 : vector<8192x32xf32>
    %reduce_sum3A = vector.shape_cast %integer_pow3A : vector<8192x32xf32> to vector<1x8192x32xf32>
    %reduce_sum3A_22 = arith.constant dense<0.000000e+00> : vector<1xf32>
    %reduce_sum3A_23 = vector.multi_reduction <add>, %reduce_sum3A, %reduce_sum3A_22 [1, 2] : vector<1x8192x32xf32> to vector<1xf32>
    %reduce_sum3A_24 = vector.shape_cast %reduce_sum3A_23 : vector<1xf32> to vector<1x1x1xf32>
    %reduce_sum3A_25 = vector.extract %reduce_sum3A_24[0, 0, 0] : f32 from vector<1x1x1xf32>
    %mul3A = arith.constant 3.81469727E-6 : f32
    %mul3A_26 = arith.mulf %reduce_sum3A_25, %mul3A : f32
    %sub3A_27 = arith.subf %get3A_1, %get3A_4 : vector<8192x32xf32>
    %integer_pow3A_28 = arith.mulf %sub3A_27, %sub3A_27 : vector<8192x32xf32>
    %reduce_sum3A_29 = vector.shape_cast %integer_pow3A_28 : vector<8192x32xf32> to vector<1x8192x32xf32>
    %reduce_sum3A_30 = arith.constant dense<0.000000e+00> : vector<1xf32>
    %reduce_sum3A_31 = vector.multi_reduction <add>, %reduce_sum3A_29, %reduce_sum3A_30 [1, 2] : vector<1x8192x32xf32> to vector<1xf32>
    %reduce_sum3A_32 = vector.shape_cast %reduce_sum3A_31 : vector<1xf32> to vector<1x1x1xf32>
    %reduce_sum3A_33 = vector.extract %reduce_sum3A_32[0, 0, 0] : f32 from vector<1x1x1xf32>
    %mul3A_34 = arith.constant 3.81469727E-6 : f32
    %mul3A_35 = arith.mulf %reduce_sum3A_33, %mul3A_34 : f32
    %mul3A_36 = arith.constant 2.500000e-01 : f32
    %mul3A_37 = arith.mulf %mul3A_36, %mul3A_35 : f32
    %sub3A_38 = arith.subf %get3A_7, %get3A_1 : vector<8192x32xf32>
    %integer_pow3A_39 = arith.mulf %sub3A_38, %sub3A_38 : vector<8192x32xf32>
    %reduce_sum3A_40 = vector.shape_cast %integer_pow3A_39 : vector<8192x32xf32> to vector<1x8192x32xf32>
    %reduce_sum3A_41 = arith.constant dense<0.000000e+00> : vector<1xf32>
    %reduce_sum3A_42 = vector.multi_reduction <add>, %reduce_sum3A_40, %reduce_sum3A_41 [1, 2] : vector<1x8192x32xf32> to vector<1xf32>
    %reduce_sum3A_43 = vector.shape_cast %reduce_sum3A_42 : vector<1xf32> to vector<1x1x1xf32>
    %reduce_sum3A_44 = vector.extract %reduce_sum3A_43[0, 0, 0] : f32 from vector<1x1x1xf32>
    %mul3A_45 = arith.constant 3.81469727E-6 : f32
    %mul3A_46 = arith.mulf %reduce_sum3A_44, %mul3A_45 : f32
    %add3A_47 = arith.addf %mul3A_37, %mul3A_46 : f32
    %add3A_48 = arith.addf %mul3A_26, %add3A_47 : f32
    %swap3A_49 = arith.constant 0 : index
    %swap3A_50 = arith.constant 0 : index
    %swap3A_51 = memref.load %arg8[%swap3A_49, %swap3A_50] : memref<1x1xf32, #tpu.memory_space<smem>>
    memref.store %add3A_48, %arg8[%swap3A_49, %swap3A_50] : memref<1x1xf32, #tpu.memory_space<smem>>
    return
  }
  func.func @transform_0(%arg0: i32) -> (i32, i32) {
    %c0_i32 = arith.constant 0 : i32
    %c0_i32_0 = arith.constant 0 : i32
    %c0_i32_1 = arith.constant 0 : i32
    return %c0_i32, %c0_i32_0 : i32, i32
  }
  func.func @transform_1(%arg0: i32) -> (i32, i32) {
    %c0_i32 = arith.constant 0 : i32
    %c0_i32_0 = arith.constant 0 : i32
    %c0_i32_1 = arith.constant 0 : i32
    return %c0_i32, %c0_i32_0 : i32, i32
  }
  func.func @transform_2(%arg0: i32) -> (i32, i32) {
    %c0_i32 = arith.constant 0 : i32
    %c0_i32_0 = arith.constant 0 : i32
    %c0_i32_1 = arith.constant 0 : i32
    return %c0_i32, %c0_i32_0 : i32, i32
  }
  func.func @transform_3(%arg0: i32) -> (i32, i32) {
    %c0_i32 = arith.constant 0 : i32
    %c0_i32_0 = arith.constant 0 : i32
    %c0_i32_1 = arith.constant 0 : i32
    return %c0_i32, %c0_i32_0 : i32, i32
  }
  func.func @transform_4(%arg0: i32) -> (i32, i32) {
    %c0_i32 = arith.constant 0 : i32
    %c0_i32_0 = arith.constant 0 : i32
    %c0_i32_1 = arith.constant 0 : i32
    return %c0_i32, %c0_i32_0 : i32, i32
  }
  func.func @transform_5(%arg0: i32) -> i32 {
    %c0_i32 = arith.constant 0 : i32
    %c0_i32_0 = arith.constant 0 : i32
    return %c0_i32 : i32
  }
  func.func @transform_6(%arg0: i32) -> (i32, i32) {
    %c0_i32 = arith.constant 0 : i32
    %c0_i32_0 = arith.constant 0 : i32
    %c0_i32_1 = arith.constant 0 : i32
    return %c0_i32, %c0_i32_0 : i32, i32
  }
  func.func @transform_7(%arg0: i32) -> (i32, i32) {
    %c0_i32 = arith.constant 0 : i32
    %c0_i32_0 = arith.constant 0 : i32
    %c0_i32_1 = arith.constant 0 : i32
    return %c0_i32, %c0_i32_0 : i32, i32
  }
}

</mosaic_0001>

<sc_bundles>
// kernel: kernel.5.cloned.1.call-start
scs
__scs_entry_jumppad:
0x0: {  	(pc) =	sbr.rel $0x88, $3  }
0x1: {  	(tag) =	ssettag $0x0;
	lr =	simm.s32 $0x1  }
0x2: {  	[smem:$0x3F99] =	sst lr;
	_ =	strace $0xD0000000  }
0x3: {  	_ = 	snop  }
0x4: {  	_ = 	snop  }
0x5: {  	_ = 	snop  }
0x6: {  	_ = 	snop  }
0x7: {  	_ = 	snop  }
__scs_overlays_trampoline_lowered:
0x8: {  	[smem:$0x3FA8] =	sst s0  }
0x9: {  	[smem:$0x3FA9] =	sst s1  }
0xa: {  	[smem:$0x3FAA] =	sst s2  }
0xb: {  	[smem:$0x3FAB] =	sst s3  }
0xc: {  	[smem:$0x3FAC] =	sst s4  }
0xd: {  	[smem:$0x3FAD] =	sst s5  }
0xe: {  	[smem:$0x3FAE] =	sst s6  }
0xf: {  	[smem:$0x3FAF] =	sst s7  }
0x10: {  	[smem:$0x3FB0] =	sst s8  }
0x11: {  	[smem:$0x3FB1] =	sst s9;
	s0 =	simm.s32 @!p0 $0x0  }
0x12: {  	s1 =	sld [smem:$0x3F97];
	s0 =	simm.s32 @p0 $0x1  }
0x13: {  	[smem:$0x3FB2] =	sst s0;
	s0 =	simm.s32 @!p1 $0x0  }
0x14: {  	s2 =	sld [smem:$0x3F96];
	s0 =	simm.s32 @p1 $0x1  }
0x15: {  	[smem:$0x3FB3] =	sst s0;
	s0 =	simm.s32 @!p2 $0x0  }
0x16: {  	s3 =	sld [smem:$0x3FDB];
	s0 =	simm.s32 @p2 $0x1  }
0x17: {  	s4 =	simm.s32 $0x1BF5;
	[smem:$0x3FB5] =	sst s0  }
0x18: {  	s0 =	sld [smem:$0x3F98];
	_ =	swait.ge [sflag:s4], $0x0  }
0x19: {  	s7 =	sld [smem:$0x3F99]  }
0x1a: {  	s8 =	sadd.s32 $0xFFFFE003, lr  }
0x1b: {  	s9 =	sadd.s32 $0xFFFFFEF7, lr;
	s5 =	simm.s32 $0xFFFFFFFF;
	p2 =	slt.u32 s8, $0xFFFFF086  }
0x1c: {  	p1 =	slt.u32 s9, $0xF7A;
	s5 =	simm.s32 @!p2 $0x0  }
0x1d: {  	s5 =	simm.s32 @p1 $0x1;
	p0 =	seq.s32 s7, s2  }
0x1e: {  	s7 =	smul.u32 @!p0 $0xF7A, s2;
	p2 =	seq.s32 @!p0 s5, $0x0  }
0x1f: {  	s9 =	smul.u32 $0xF7A, s1;
	s8 =	simm.s32 @!p0 $0x1BF5;
	p2 =	por !p2, p0  }
0x20: {  	[sflag:s8] =	ssyncset.s32 @!p0 $0xFFFFF086;
	s6 =	sadd.s32 @!p0 s3, s7;
	s7 =	simm.s32 @!p0 $0x108  }
0x21: {  	s3 =	sadd.s32 s3, s9;
	s6 =	sadd.s32 @!p0 $0x88, s6;
	s7 =	simm.s32 @p2 $0x1082  }
0x22: {  	[simem:s7], [sflag:s8] =	dma.local @!p0 [hbm:s6], $0xF7A  }
0x23: {  	s9 =	sor.u32 $0xD0000000, s2;
	s6 =	simm.s32 $0x108;
	_ =	swait.ge @!p0 [sflag:s8], $0x0  }
0x24: {  	s3 =	sadd.s32 $0x88, s3;
	s6 =	simm.s32 @!p1 $0x1082;
	[sflag:s4] =	ssyncset.s32 $0xFFFFF086  }
0x25: {  	[simem:s6], [sflag:s4] =	dma.local [hbm:s3], $0xF7A  }
0x26: {  	[smem:$0x3F99] =	sst s1;
	(tag) =	ssettag s2;
	_ =	strace s9  }
0x27: {  	s1 =	sld [smem:$0x3FA9]  }
0x28: {  	s2 =	sld [smem:$0x3FAA]  }
0x29: {  	s4 =	sld [smem:$0x3FAC]  }
0x2a: {  	p0 =	seq.s32 s5, $0x0;
	s5 =	sld [smem:$0x3FAD]  }
0x2b: {  	s6 =	sld [smem:$0x3FAE]  }
0x2c: {  	s7 =	sld [smem:$0x3FAF]  }
0x2d: {  	s3 =	simm.s32 $0x108;
	s8 =	sld [smem:$0x3FB0]  }
0x2e: {  	s3 =	simm.s32 @!p0 $0x1082;
	s9 =	sld [smem:$0x3FB1]  }
0x2f: {  	lr =	sadd.s32 s0, s3;
	s0 =	sld [smem:$0x3FA8]  }
0x30: {  	s3 =	sld [smem:$0x3FAB]  }
0x31: {  	[smem:$0x3FB4] =	sst s10  }
0x32: {  	s10 =	sld [smem:$0x3FB2];
	_ =	sdelay $0x3  }
0x33: {  	p0 =	seq.s32 s10, $0x1;
	s10 =	sld [smem:$0x3FB4];
	_ =	sdelay $0x3  }
0x34: {  	[smem:$0x3FB4] =	sst s10  }
0x35: {  	s10 =	sld [smem:$0x3FB3];
	_ =	sdelay $0x3  }
0x36: {  	p1 =	seq.s32 s10, $0x1;
	s10 =	sld [smem:$0x3FB4];
	_ =	sdelay $0x3  }
0x37: {  	[smem:$0x3FB4] =	sst s10  }
0x38: {  	s10 =	sld [smem:$0x3FB5]  }
0x39: {  	_ = 	snop;
	(pc) =	sbr.ind lr, $3  }
0x3a: {  	_ = 	snop  }
0x3b: {  	_ = 	snop  }
0x3c: {  	p2 =	seq.s32 s10, $0x1;
	s10 =	sld [smem:$0x3FB4]  }
0x3d: {  	_ =	shalt  }
0x3e: {  	_ =	shalt  }
0x3f: {  	_ =	shalt  }
0x40: {  	_ =	shalt  }
0x41: {  	_ =	shalt  }
0x42: {  	_ =	shalt  }
0x43: {  	_ =	shalt  }
0x44: {  	_ =	shalt  }
0x45: {  	_ =	shalt  }
0x46: {  	_ =	shalt  }
0x47: {  	_ =	shalt  }
0x48: {  	_ =	shalt  }
0x49: {  	_ =	shalt  }
0x4a: {  	_ =	shalt  }
0x4b: {  	_ =	shalt  }
0x4c: {  	_ =	shalt  }
0x4d: {  	_ =	shalt  }
0x4e: {  	_ =	shalt  }
0x4f: {  	_ =	shalt  }
0x50: {  	_ =	shalt  }
0x51: {  	_ =	shalt  }
0x52: {  	_ =	shalt  }
0x53: {  	_ =	shalt  }
0x54: {  	_ =	shalt  }
0x55: {  	_ =	shalt  }
0x56: {  	_ =	shalt  }
0x57: {  	_ =	shalt  }
0x58: {  	_ =	shalt  }
0x59: {  	_ =	shalt  }
0x5a: {  	_ =	shalt  }
0x5b: {  	_ =	shalt  }
0x5c: {  	_ =	shalt  }
0x5d: {  	_ =	shalt  }
0x5e: {  	_ =	shalt  }
0x5f: {  	_ =	shalt  }
0x60: {  	_ =	shalt  }
0x61: {  	_ =	shalt  }
0x62: {  	_ =	shalt  }
0x63: {  	_ =	shalt  }
0x64: {  	_ =	shalt  }
0x65: {  	_ =	shalt  }
0x66: {  	_ =	shalt  }
0x67: {  	_ =	shalt  }
0x68: {  	_ =	shalt  }
0x69: {  	_ =	shalt  }
0x6a: {  	_ =	shalt  }
0x6b: {  	_ =	shalt  }
0x6c: {  	_ =	shalt  }
0x6d: {  	_ =	shalt  }
0x6e: {  	_ =	shalt  }
0x6f: {  	_ =	shalt  }
0x70: {  	_ =	shalt  }
0x71: {  	_ =	shalt  }
0x72: {  	_ =	shalt  }
0x73: {  	_ =	shalt  }
0x74: {  	_ =	shalt  }
0x75: {  	_ =	shalt  }
0x76: {  	_ =	shalt  }
0x77: {  	_ =	shalt  }
0x78: {  	_ =	shalt  }
0x79: {  	_ =	shalt  }
0x7a: {  	_ =	shalt  }
0x7b: {  	_ =	shalt  }
0x7c: {  	_ =	shalt  }
0x7d: {  	_ =	shalt  }
0x7e: {  	_ =	shalt  }
0x7f: {  	_ =	shalt  }
0x80: {  	_ =	shalt  }
0x81: {  	_ =	shalt  }
0x82: {  	_ =	shalt  }
0x83: {  	_ =	shalt  }
0x84: {  	_ =	shalt  }
0x85: {  	_ =	shalt  }
0x86: {  	_ =	shalt  }
0x87: {  	_ =	shalt  }
.Lfunc_end0:
.L_simem_size_0:
called_computation_lowered:
.L_overlay_start_0:
0x88: {  	s2 =	sld [smem:$0x3FD9]  }
0x89: {  	s3 =	sld [smem:$0x3FFE];
	_ =	sdelay $0x1  }
0x8a: {  	s1 =	srdreg.scid  }
0x8b: {  	s0 =	sand.u32 $0x1, s1  }
0x8c: {  	s14 =	sshll.u32 s0, $0xA;
	s2 =	sadd.s32 s3, s2  }
0x8d: {  	s2 =	sadd.s32 s2, s14  }
0x8e: {  	[smem:$0x3FC0] =	sst s2  }
0x8f: {  	_ = 	snop  }
0x90: {  	s2 =	sld [smem:$0x3FD0];
	_ =	sdelay $0x2  }
0x91: {  	s15 =	simm.s32 $0xA;
	s4 =	simm.s32 $0x10  }
0x92: {  	[smem:s4], [sflag:s15] =	dma.local [hbm:s2], $0x1  }
0x93: {  	_ =	swait.eq [sflag:s15], $0x1  }
0x94: {  	[sflag:s15] =	ssyncset.done $0x0  }
0x95: {  	[sflag:s15] =	ssyncadd.s32 $0xFFFFFFFF  }
0x96: {  	s16 =	sld [smem:$0x10];
	(tm) =	ssettm $0x1  }
0x97: {  	s17 =	sld [smem:$0x3FFB];
	_ =	sdelay $0x3  }
0x98: {  	_ =	strace s17  }
0x99: {  	s3 =	sld [smem:$0x3FFC];
	_ =	sdelay $0x3  }
0x9a: {  	_ =	strace s3  }
0x9b: {  	s3 =	sld [smem:$0x3FFD];
	_ =	sdelay $0x3  }
0x9c: {  	_ =	strace s3  }
0x9d: {  	_ =	strace $0x8FFFFFFF  }
0x9e: {  	s18 =	sld [smem:$0x3FDB];
	_ =	sdelay $0x1  }
0x9f: {  	s19 =	simm.s32 $_scs_section_size  }
0xa0: {  	s5 =	simm.s32 $_size__tile_overlayer_lowered;
	s6 =	simm.s32 $_tile_overlayer_lowered  }
0xa1: {  	s22 =	simm.s32 $0x1BFF;
	s21 =	sshll.u32 s6, $0x1;
	s3 =	sadd.s32 s19, s18  }
0xa2: {  	s7 =	simm.s32 $0x0;
	s20 =	sshll.u32 s5, $0x1;
	s5 =	sadd.s32 s21, s3  }
0xa3: {  	[timem:s7], [sflag:s22] =	dma.local [hbm:s5], s20  }
0xa4: {  	_ =	swait.ge [sflag:s22], s20  }
0xa5: {  	s4 =	ssub.s32 $0x0, s20;
	[sflag:s22] =	ssyncset.done $0x0  }
0xa6: {  	[sflag:s22] =	ssyncadd.s32 s4;
	_ =	sdelay $0x1  }
0xa7: {  	s23 =	simm.s32 $0x1B8B  }
0xa8: {  	_ =	swait.ge [sflag:s23], $0x1  }
0xa9: {  	[sflag:s23] =	ssyncset.done $0x0  }
0xaa: {  	s25 =	simm.s32 $0x1B8E;
	s24 =	sld [smem:$0x3FFE];
	[sflag:s23] =	ssyncadd.s32 $0xFFFFFFFF  }
0xab: {  	s26 =	simm.s32 $execute0_lowered;
	[smem:$0x3FD2] =	sst s25  }
0xac: {  	s5 =	sshll.u32 s26, $0x1;
	_ =	strace $0x80000046;
	[dreg:$0x1] =	wrdreg $0xFFFFFFFF  }
0xad: {  	s28 =	simm.s32 $_size_execute0_lowered;
	s3 =	sadd.s32 s3, s5;
	[dreg:$0x0] =	wrdreg $0x0  }
0xae: {  	s5 =	sshll.u32 s28, $0x1;
	[dreg:$0x2] =	wrdreg s3  }
0xaf: {  	[dreg:$0x3] =	wrdreg s5  }
0xb0: {  	[dreg:$0x4] =	wrdreg $0xC0  }
0xb1: {  	_ =	task [dreg:s7], $0x5FFFF  }
0xb2: {  	[dreg:$0x1] =	wrdreg $0xFFFFFFFF  }
0xb3: {  	[dreg:$0x0] =	wrdreg $0x60  }
0xb4: {  	[dreg:$0x2] =	wrdreg s24  }
0xb5: {  	[dreg:$0x3] =	wrdreg s16  }
0xb6: {  	[dreg:$0x4] =	wrdreg $0x9  }
0xb7: {  	_ =	task.clear_ibuf [dreg:s7], $0x5FFFF;
	_ =	strace $0x90000046  }
0xb8: {  	s29 =	simm.s32 $0x9;
	_ =	strace $0x80000048  }
0xb9: {  	_ =	swait.ge [sflag:s29], $0x1  }
0xba: {  	[sflag:s29] =	ssyncadd.s32 $0xFFFFFFFF  }
0xbb: {  	_ =	strace $0x90000048  }
0xbc: {  	_ =	sfence  }
0xbd: {  	s30 =	sld [smem:$0x0];
	_ =	sdelay $0x2  }
0xbe: {  	s31 =	sshll.u32 s1, $0xD;
	s1 =	sshrl.u32 s1, $0x2  }
0xbf: {  	s3 =	sand.u32 $0x4000, s31;
	s1 =	sadd.s32 s1, s30  }
0xc0: {  	s0 =	sor.u32 s3, s0;
	s1 =	sshll.u32 s1, $0x11  }
0xc1: {  	s0 =	sor.u32 s1, s0  }
0xc2: {  	s0 =	sadd.s32 $0x8F2B, s0  }
0xc3: {  	[sflag:s0] =	ssyncadd.remote.s32 $0x1  }
0xc4: {  	_ =	sfence.sel $0xFFFF  }
0xc5: {  	[dreg:$0x0] =	wrdreg $0xFFFFFFFF;
	(pc) =	sbr.abs _section_cstart, $3  }
0xc6: {  	[dreg:$0x1] =	wrdreg $0xFFFFFFFF  }
0xc7: {  	_ =	task.clear_ibuf [dreg:s7], $0x2FFFF;
	_ =	strace $0x9FFFFFFF  }
0xc8: {  	(tm) =	ssettm $0x7FFFFFFF  }
0xc9: {  	_ =	shalt  }
tec
execute0_lowered:
.L_overlay_start_1:
0x0: {  	(tag) =	ssettag $0x1  }
0x1: {  	s1 =	srdreg.scid  }
0x2: {  	s0 =	stileid.u32;
	s14 =	sand.u32 $0x1, s1  }
0x3: {  	s15 =	rddreg [dreg:$0x0];
	s29 =	sshll.u32 s0, $0x3;
	s3 =	sshll.u32 s14, $0x2  }
0x4: {  	s2 =	rddreg [dreg:$0x1];
	s16 =	sor.u32 s3, s29  }
0x5: {  	s1 =	rddreg [dreg:$0x2];
	s3 =	simm.s32 $0x0;
	s4 =	sshll.u32 s16, $0x4  }
0x6: {  	[smem:$0x7FF] =	sst s3;
	s4 =	sadd.s32 s4, s15  }
0x7: {  	_ =	strace $0x80000047;
	s5 =	sadd.s32 $0x1800, s4;
	s4 =	simm.s32 $0x2  }
0x8: {  	[tilespmem:s3], [sflag:$0x2] =	stream.linear.gather [hbm4b:s5+s3], $0x200, $0x38;
	[tilespmem:$0x4200] =	vst v63  }
0x9: {  	_ =	swait.ge [sflag:s4], $0x200  }
0xa: {  	[sflag:s4] =	ssyncset.done $0x0  }
0xb: {  	s6 =	simm.s32 $0x80;
	s7 =	simm.s32 $0x200;
	[sflag:s4] =	ssyncadd.s32 $0xFFFFFE00  }
0xc: {  	[tilespmem:s7], [sflag:$0x1] =	stream.indirect.gather [hbm4b:s2+s6], $0x20, s3, s6, $0xb8;
	[tilespmem:$0x4200] =	vst v63  }
0xd: {  	s8 =	simm.s32 $0x1200  }
0xe: {  	[tilespmem:s8], [sflag:$0x1] =	stream.indirect.gather [hbm4b:s2+s6], $0x20, s6, s6, $0xb8;
	[tilespmem:$0x4200] =	vst v63  }
0xf: {  	s9 =	simm.s32 $0x100;
	s10 =	simm.s32 $0x2200  }
0x10: {  	[tilespmem:s10], [sflag:$0x1] =	stream.indirect.gather [hbm4b:s2+s6], $0x20, s9, s6, $0xb8;
	[tilespmem:$0x4200] =	vst v63  }
0x11: {  	s11 =	simm.s32 $0x180;
	s12 =	simm.s32 $0x3200;
	s13 =	simm.s32 $0x1  }
0x12: {  	[tilespmem:s12], [sflag:$0x1] =	stream.indirect.gather [hbm4b:s2+s6], $0x20, s11, s6, $0xb8;
	[tilespmem:$0x4200] =	vst v63  }
0x13: {  	_ =	swait.ge [sflag:s13], $0x1000  }
0x14: {  	[sflag:s13] =	ssyncset.done $0x0  }
0x15: {  	[sflag:s13] =	ssyncadd.s32 $0xFFFFF000  }
0x16: {  	_ =	swait.ge [sflag:s13], $0x1000  }
0x17: {  	[sflag:s13] =	ssyncset.done $0x0  }
0x18: {  	s14 =	ssub.s32 $0x2, s14;
	[sflag:s13] =	ssyncadd.s32 $0xFFFFF000  }
0x19: {  	s17 =	sshrl.u32 s14, $0x1;
	_ =	swait.ge [sflag:s13], $0x1000  }
0x1a: {  	s30 =	ssub.s32 s14, s17;
	[sflag:s13] =	ssyncset.done $0x0  }
0x1b: {  	s31 =	smax.u32 s30, $0x1;
	[sflag:s13] =	ssyncadd.s32 $0xFFFFF000  }
0x1c: {  	s16 =	sshll.u32 s16, $0x9;
	p0 =	sne.s32 s31, $0x1;
	_ =	swait.ge [sflag:s13], $0x1000  }
.Ltmp0:
0x1d: {  	s15 =	sadd.s32 s16, s15;
	[sflag:s13] =	ssyncset.done $0x0;
	(pc) =	sbr.rel @!p0 .LBB2_2-.Ltmp0, $4  }
0x1e: {  	s14 =	sadd.s32 $0x2000, s15;
	[sflag:s13] =	ssyncadd.s32 $0xFFFFF000  }
0x1f: {  	[hbm4b:s14+s3] =	stream.linear.scatter [tilespmem:s7], [sflag:$0x2], $0x4000, $0x38;
	[tilespmem:$0x4200] =	vst v63  }
0x20: {  	_ =	swait.ge [sflag:s4], $0x4000  }
0x21: {  	s15 =	sadd.s32 $0xFFFFFFFF, s31;
	[sflag:s4] =	ssyncset.done $0x0  }
.LBB2_1:
0x22: {  	p0 =	sne.s32 s15, $0x1;
	s15 =	sadd.s32 $0xFFFFFFFF, s15;
	[sflag:s4] =	ssyncadd.s32 $0xFFFFC000  }
0x23: {  	[tilespmem:s3], [sflag:$0x2] =	stream.linear.gather [hbm4b:s5+s3], $0x200, $0x38;
	[tilespmem:$0x4200] =	vst v63  }
0x24: {  	_ =	swait.ge [sflag:s4], $0x200  }
0x25: {  	[sflag:s4] =	ssyncset.done $0x0  }
0x26: {  	[sflag:s4] =	ssyncadd.s32 $0xFFFFFE00  }
0x27: {  	[tilespmem:s7], [sflag:$0x1] =	stream.indirect.gather [hbm4b:s2+s6], $0x20, s3, s6, $0xb8;
	[tilespmem:$0x4200] =	vst v63  }
0x28: {  	_ = 	snop  }
0x29: {  	[tilespmem:s8], [sflag:$0x1] =	stream.indirect.gather [hbm4b:s2+s6], $0x20, s6, s6, $0xb8;
	[tilespmem:$0x4200] =	vst v63  }
0x2a: {  	_ = 	snop  }
0x2b: {  	[tilespmem:s10], [sflag:$0x1] =	stream.indirect.gather [hbm4b:s2+s6], $0x20, s9, s6, $0xb8;
	[tilespmem:$0x4200] =	vst v63  }
0x2c: {  	_ = 	snop  }
0x2d: {  	[tilespmem:s12], [sflag:$0x1] =	stream.indirect.gather [hbm4b:s2+s6], $0x20, s11, s6, $0xb8;
	[tilespmem:$0x4200] =	vst v63  }
0x2e: {  	_ =	swait.ge [sflag:s13], $0x1000  }
0x2f: {  	[sflag:s13] =	ssyncset.done $0x0  }
0x30: {  	[sflag:s13] =	ssyncadd.s32 $0xFFFFF000  }
0x31: {  	_ =	swait.ge [sflag:s13], $0x1000  }
0x32: {  	[sflag:s13] =	ssyncset.done $0x0  }
0x33: {  	[sflag:s13] =	ssyncadd.s32 $0xFFFFF000  }
0x34: {  	_ =	swait.ge [sflag:s13], $0x1000  }
0x35: {  	[sflag:s13] =	ssyncset.done $0x0  }
0x36: {  	[sflag:s13] =	ssyncadd.s32 $0xFFFFF000  }
0x37: {  	_ =	swait.ge [sflag:s13], $0x1000  }
.Ltmp1:
0x38: {  	[sflag:s13] =	ssyncset.done $0x0;
	(pc) =	sbr.rel @p0 .LBB2_1-.Ltmp1, $4  }
0x39: {  	[sflag:s13] =	ssyncadd.s32 $0xFFFFF000  }
0x3a: {  	[hbm4b:s14+s3] =	stream.linear.scatter [tilespmem:s7], [sflag:$0x2], $0x4000, $0x38;
	[tilespmem:$0x4200] =	vst v63  }
0x3b: {  	_ =	swait.ge [sflag:s4], $0x4000  }
0x3c: {  	[sflag:s4] =	ssyncset.done $0x0  }
.LBB2_2:
0x3d: {  	[sflag:s4] =	ssyncadd.s32 $0xFFFFC000  }
0x3e: {  	_ =	sfence.sel $0x180000  }
0x3f: {  	[bflag:$0x0] =	sbarrier.arrive $0xFFFF  }
0x40: {  	p0 =	sne.s32 s0, $0x0;
	_ =	strace $0x90000047  }
0x41: {  	s0 =	sadd.s32 @!p0 $0x100000, s1;
	[bflag:$0x2] =	sbarrier.arrive $0xFFFF  }
0x42: {  	[sflag:s0] =	ssyncadd.tile.s32 @!p0 $0x1;
	_ =	shalt  }
.Lfunc_end2:
_tile_overlayer_lowered:
.L_overlay_start_2:
0x43: {  	(tag) =	ssettag $0x2  }
0x44: {  	s0 =	rddreg [dreg:$0x0];
	s2 =	stileid.u32  }
0x45: {  	s1 =	rddreg [dreg:$0x1];
	p0 =	sne.s32 s2, $0x0  }
0x46: {  	s3 =	rddreg [dreg:$0x2];
	[bflag:$0x3] =	sbarrier.arrive $0xFFFF;
	s2 =	simm.s32 @!p0 $0x1C02  }
0x47: {  	[timem:s3], [sflag:s2] =	dma.local @!p0 [hbm:s0], s1  }
0x48: {  	s0 =	simm.s32 @!p0 $0x2  }
0x49: {  	_ =	swait.ge @!p0 [sflag:s0], s1  }
0x4a: {  	s1 =	ssub.s32 @!p0 $0x0, s1;
	[sflag:s0] =	ssyncset.done @!p0 $0x0  }
0x4b: {  	[sflag:s0] =	ssyncadd.s32 @!p0 s1  }
0x4c: {  	[bflag:$0x3] =	sbarrier.arrive $0xFFFF  }
0x4d: {  	_ =	shalt  }

</sc_bundles>
